<compile_context>
chip_gen: v7x
topology: tpu7x:2x2x1
jax: 0.10.2.dev20260603
libtpu: 0.0.44.dev20260713+nightly
codegen_flags: <defaults>
</compile_context>

<pallas_src>
import functools

import jax
import jax.numpy as jnp
from jax import lax
from jax.experimental import pallas as pl
from jax.experimental.pallas import tpu as pltpu
from jax.experimental.pallas import tpu_sc as plsc

_L_SEQ = 20
_VOCAB = 100000
_DIM = 32
_BATCH = 4096

_NSUB = 16
_G16 = _BATCH // 16

_mesh = plsc.VectorSubcoreMesh(core_axis_name="c", subcore_axis_name="s")


@functools.partial(
    pl.kernel,
    mesh=_mesh,
    out_type=jax.ShapeDtypeStruct((_L_SEQ, _DIM, _BATCH), jnp.float32),
    scratch_types=[
        pltpu.VMEM((_VOCAB,), jnp.float32),
        pltpu.VMEM((_BATCH,), jnp.int32),
        pltpu.VMEM((_BATCH,), jnp.float32),
        pltpu.SemaphoreType.DMA,
    ],
    compiler_params=pltpu.CompilerParams(
        use_tc_tiling_on_sc=True,
        needs_layout_passes=False,
        skip_device_barrier=True,
    ),
)
def _lookup_kernel(table_hbm, x_hbm, out_hbm, vocv, xv, orow, s_st):
    cc = lax.axis_index("c")
    sid = lax.axis_index("s")
    ch = cc * _NSUB + sid

    def stage_start(l):
        pltpu.async_copy(table_hbm.at[l * _DIM + ch, :], vocv, s_st)

    def stage_wait(l):
        pltpu.make_async_copy(
            table_hbm.at[l * _DIM + ch, :], vocv, s_st
        ).wait()

    stage_start(0)
    stage_wait(0)

    def round_body(l, carry):
        pltpu.sync_copy(x_hbm.at[l, :], xv)

        def gat(g, c):
            sl = pl.ds(g * 16, 16)
            orow[sl] = plsc.load_gather(vocv, [xv[sl]])
            return c

        lax.fori_loop(0, _G16, gat, 0)

        @pl.when(l < _L_SEQ - 1)
        def _():
            stage_start(l + 1)

        pltpu.sync_copy(orow, out_hbm.at[l, ch])

        @pl.when(l < _L_SEQ - 1)
        def _():
            stage_wait(l + 1)

        return carry

    lax.fori_loop(0, _L_SEQ, round_body, 0)


def kernel(x, tables):
    table_t = tables.transpose(0, 2, 1).reshape(_L_SEQ * _DIM, _VOCAB)
    x_t = x.T
    out_t = _lookup_kernel(table_t, x_t)
    return out_t.transpose(2, 0, 1)

# --- scband reference (transcript-rebuilt; emitter-appended) ---
"""Pipeline reference for scband-position-aware-embedding-22677427323659 (READ-ONLY COPY).

The authoritative reference and input builder live on the scoring server;
editing this copy changes nothing except your own understanding.
"""

import jax, jax.numpy as jnp
import numpy as np

N_SEQ_LEN = 20
VOCAB = 100000
DIM = 32
BATCH = 4096


def setup_inputs(seed: int = 0) -> dict:
    key = jax.random.key(seed)
    k1, k2 = jax.random.split(key)
    x = jax.random.randint(k1, (BATCH, N_SEQ_LEN), 0, VOCAB, dtype=jnp.int32)
    # One embedding table per sequence position (nn.ModuleList of nn.Embedding)
    tables = jax.random.normal(k2, (N_SEQ_LEN, VOCAB, DIM), dtype=jnp.float32) * 0.05
    return {"x": x, "tables": tables}


def reference(x, tables):
    # For each digit position d, look up x[:, d] in tables[d], then stack along dim=1.
    # Equivalent vectorized advanced-indexing gather: tables[d, x[:, d]] -> [B, L, D]
    digits = jnp.arange(tables.shape[0])[None, :]  # [1, L]
    t_emb = tables[digits, x]  # [B, L, D]
    return t_emb

if __name__ == "__main__":
    import jax
    _d = setup_inputs()
    print(jax.jit(kernel)(*tuple(_d.values())))

</pallas_src>

<mosaic_0001>
#map = affine_map<(d0, d1) -> (0, 0)>
#map1 = affine_map<(d0, d1) -> (0, 0, 0)>
module attributes {stable_mosaic.version = 14 : i64} {
  func.func @_lookup_kernel(%arg0: i32, %arg1: i32, %arg2: memref<640x100000xf32, #tpu.memory_space<hbm>>, %arg3: memref<20x4096xi32, #tpu.memory_space<hbm>>, %arg4: memref<20x32x4096xf32, #tpu.memory_space<hbm>>, %arg5: memref<100000xf32, #tpu.memory_space<vmem>>, %arg6: memref<4096xi32, #tpu.memory_space<vmem>>, %arg7: memref<4096xf32, #tpu.memory_space<vmem>>, %arg8: memref<!tpu.dma_semaphore, #tpu.memory_space<semaphore_mem>>) attributes {dimension_semantics = [#tpu.dimension_semantics<core_parallel>, #tpu.dimension_semantics<subcore_parallel>], iteration_bounds = array<i64: 2, 16>, scalar_prefetch = 0 : i64, scratch_operands = 4 : i64, tpu.core_type = #tpu.core_type<sc_vector_subcore>, window_params = [{transform_indices = #map}, {transform_indices = #map}, {transform_indices = #map1}]} {
    %mul3A = arith.constant 16 : i32
    %mul3A_0 = arith.muli %arg0, %mul3A : i32
    %add3A = arith.addi %mul3A_0, %arg1 : i32
    %add3A_1 = arith.constant 0 : i32
    %add3A_2 = arith.addi %add3A_1, %add3A : i32
    %dma_start3A = arith.constant 0 : i32
    %dma_start3A_3 = tpu.memref_slice %arg2[%add3A_2, %dma_start3A] : memref<640x100000xf32, #tpu.memory_space<hbm>> -> memref<1x100000xf32, #tpu.memory_space<hbm>>
    %dma_start3A_4 = tpu.memref_squeeze %dma_start3A_3 : memref<1x100000xf32, #tpu.memory_space<hbm>> -> memref<100000xf32, #tpu.memory_space<hbm>>
    %dma_start3A_5 = arith.constant 0 : i32
    %dma_start3A_6 = tpu.memref_slice %arg2[%add3A_2, %dma_start3A_5] : memref<640x100000xf32, #tpu.memory_space<hbm>> -> memref<1x100000xf32, #tpu.memory_space<hbm>>
    %dma_start3A_7 = tpu.memref_squeeze %dma_start3A_6 : memref<1x100000xf32, #tpu.memory_space<hbm>> -> memref<100000xf32, #tpu.memory_space<hbm>>
    tpu.enqueue_dma source(%dma_start3A_7 : memref<100000xf32, #tpu.memory_space<hbm>>) target(%arg5 : memref<100000xf32, #tpu.memory_space<vmem>>) target_semaphore(%arg8 : memref<!tpu.dma_semaphore, #tpu.memory_space<semaphore_mem>>)
    %add3A_8 = arith.constant 0 : i32
    %add3A_9 = arith.addi %add3A_8, %add3A : i32
    %dma_wait3A = arith.constant 0 : i32
    %dma_wait3A_10 = tpu.memref_slice %arg2[%add3A_9, %dma_wait3A] : memref<640x100000xf32, #tpu.memory_space<hbm>> -> memref<1x100000xf32, #tpu.memory_space<hbm>>
    %dma_wait3A_11 = tpu.memref_squeeze %dma_wait3A_10 : memref<1x100000xf32, #tpu.memory_space<hbm>> -> memref<100000xf32, #tpu.memory_space<hbm>>
    %dma_wait3A_12 = arith.constant 0 : i32
    %dma_wait3A_13 = tpu.memref_slice %arg2[%add3A_9, %dma_wait3A_12] : memref<640x100000xf32, #tpu.memory_space<hbm>> -> memref<1x100000xf32, #tpu.memory_space<hbm>>
    %dma_wait3A_14 = tpu.memref_squeeze %dma_wait3A_13 : memref<1x100000xf32, #tpu.memory_space<hbm>> -> memref<100000xf32, #tpu.memory_space<hbm>>
    tpu.wait_dma2 semaphore(%arg8 : memref<!tpu.dma_semaphore, #tpu.memory_space<semaphore_mem>>) src(%dma_wait3A_14 : memref<100000xf32, #tpu.memory_space<hbm>>) dst(%arg5 : memref<100000xf32, #tpu.memory_space<vmem>>)
    %scan3A = arith.constant 0 : i32
    %scan3A_15 = arith.constant 0 : i32
    %scan3A_16 = arith.constant 20 : i32
    %scan3A_17 = arith.addi %scan3A_15, %scan3A_16 : i32
    %scan3A_18 = arith.constant 1 : i32
    scf.for %scan3A_20 = %scan3A_15 to %scan3A_17 step %scan3A_18  : i32 {
      "tpu.region"() ({
        %run_scoped3A = tpu.sem_alloc : memref<!tpu.dma_semaphore, #tpu.memory_space<semaphore_mem>>
        %dma_start3A_34 = arith.constant 0 : i32
        %dma_start3A_35 = tpu.memref_slice %arg3[%scan3A_20, %dma_start3A_34] : memref<20x4096xi32, #tpu.memory_space<hbm>> -> memref<1x4096xi32, #tpu.memory_space<hbm>>
        %dma_start3A_36 = tpu.memref_squeeze %dma_start3A_35 : memref<1x4096xi32, #tpu.memory_space<hbm>> -> memref<4096xi32, #tpu.memory_space<hbm>>
        %dma_start3A_37 = arith.constant 0 : i32
        %dma_start3A_38 = tpu.memref_slice %arg3[%scan3A_20, %dma_start3A_37] : memref<20x4096xi32, #tpu.memory_space<hbm>> -> memref<1x4096xi32, #tpu.memory_space<hbm>>
        %dma_start3A_39 = tpu.memref_squeeze %dma_start3A_38 : memref<1x4096xi32, #tpu.memory_space<hbm>> -> memref<4096xi32, #tpu.memory_space<hbm>>
        tpu.enqueue_dma source(%dma_start3A_39 : memref<4096xi32, #tpu.memory_space<hbm>>) target(%arg6 : memref<4096xi32, #tpu.memory_space<vmem>>) target_semaphore(%run_scoped3A : memref<!tpu.dma_semaphore, #tpu.memory_space<semaphore_mem>>)
        %dma_wait3A_40 = arith.constant 0 : i32
        %dma_wait3A_41 = tpu.memref_slice %arg3[%scan3A_20, %dma_wait3A_40] : memref<20x4096xi32, #tpu.memory_space<hbm>> -> memref<1x4096xi32, #tpu.memory_space<hbm>>
        %dma_wait3A_42 = tpu.memref_squeeze %dma_wait3A_41 : memref<1x4096xi32, #tpu.memory_space<hbm>> -> memref<4096xi32, #tpu.memory_space<hbm>>
        %dma_wait3A_43 = arith.constant 0 : i32
        %dma_wait3A_44 = tpu.memref_slice %arg3[%scan3A_20, %dma_wait3A_43] : memref<20x4096xi32, #tpu.memory_space<hbm>> -> memref<1x4096xi32, #tpu.memory_space<hbm>>
        %dma_wait3A_45 = tpu.memref_squeeze %dma_wait3A_44 : memref<1x4096xi32, #tpu.memory_space<hbm>> -> memref<4096xi32, #tpu.memory_space<hbm>>
        tpu.wait_dma2 semaphore(%run_scoped3A : memref<!tpu.dma_semaphore, #tpu.memory_space<semaphore_mem>>) src(%dma_wait3A_45 : memref<4096xi32, #tpu.memory_space<hbm>>) dst(%arg6 : memref<4096xi32, #tpu.memory_space<vmem>>)
        tpu.yield
      }) : () -> ()
      %scan3A_21 = arith.constant 0 : i32
      %scan3A_22 = arith.constant 0 : i32
      %scan3A_23 = arith.constant 256 : i32
      %scan3A_24 = arith.addi %scan3A_22, %scan3A_23 : i32
      %scan3A_25 = arith.constant 1 : i32
      scf.for %scan3A_34 = %scan3A_22 to %scan3A_24 step %scan3A_25  : i32 {
        %mul3A_35 = arith.constant 16 : i32
        %mul3A_36 = arith.muli %scan3A_34, %mul3A_35 : i32
        %get3A = arith.index_cast %mul3A_36 : i32 to index
        %get3A_37 = tpu.vector_load %arg6[%get3A] {strides = array<i32>} : memref<4096xi32, #tpu.memory_space<vmem>>, vector<16xi32>,
        %gather3A = tpu.vector_load_idx %arg5[%get3A_37] : memref<100000xf32, #tpu.memory_space<vmem>>[vector<16xi32>], vector<16xf32>,
        %swap3A = arith.index_cast %mul3A_36 : i32 to index
        %swap3A_38 = tpu.vector_load %arg7[%swap3A] {strides = array<i32>} : memref<4096xf32, #tpu.memory_space<vmem>>, vector<16xf32>,
        tpu.vector_store %arg7[%swap3A], %gather3A {strides = array<i32>} : memref<4096xf32, #tpu.memory_space<vmem>>, vector<16xf32>,
      }
      %scan3A_26 = arith.constant 256 : i32
      %lt3A = arith.constant 19 : i32
      %lt3A_27 = arith.cmpi slt, %scan3A_20, %lt3A : i32
      %convert_element_type3A = arith.extui %lt3A_27 : i1 to i32
      %cond3A = arith.constant 0 : i32
      %cond3A_28 = arith.cmpi ne, %convert_element_type3A, %cond3A : i32
      scf.if %cond3A_28 {
        %add3A_34 = arith.constant 1 : i32
        %add3A_35 = arith.addi %scan3A_20, %add3A_34 : i32
        %mul3A_36 = arith.constant 32 : i32
        %mul3A_37 = arith.muli %add3A_35, %mul3A_36 : i32
        %add3A_38 = arith.addi %mul3A_37, %add3A : i32
        %dma_start3A_39 = arith.constant 0 : i32
        %dma_start3A_40 = tpu.memref_slice %arg2[%add3A_38, %dma_start3A_39] : memref<640x100000xf32, #tpu.memory_space<hbm>> -> memref<1x100000xf32, #tpu.memory_space<hbm>>
        %dma_start3A_41 = tpu.memref_squeeze %dma_start3A_40 : memref<1x100000xf32, #tpu.memory_space<hbm>> -> memref<100000xf32, #tpu.memory_space<hbm>>
        %dma_start3A_42 = arith.constant 0 : i32
        %dma_start3A_43 = tpu.memref_slice %arg2[%add3A_38, %dma_start3A_42] : memref<640x100000xf32, #tpu.memory_space<hbm>> -> memref<1x100000xf32, #tpu.memory_space<hbm>>
        %dma_start3A_44 = tpu.memref_squeeze %dma_start3A_43 : memref<1x100000xf32, #tpu.memory_space<hbm>> -> memref<100000xf32, #tpu.memory_space<hbm>>
        tpu.enqueue_dma source(%dma_start3A_44 : memref<100000xf32, #tpu.memory_space<hbm>>) target(%arg5 : memref<100000xf32, #tpu.memory_space<vmem>>) target_semaphore(%arg8 : memref<!tpu.dma_semaphore, #tpu.memory_space<semaphore_mem>>)
      } else {
      }
      "tpu.region"() ({
        %run_scoped3A = tpu.sem_alloc : memref<!tpu.dma_semaphore, #tpu.memory_space<semaphore_mem>>
        %dma_start3A_34 = arith.constant 0 : i32
        %dma_start3A_35 = tpu.memref_slice %arg4[%scan3A_20, %add3A, %dma_start3A_34] : memref<20x32x4096xf32, #tpu.memory_space<hbm>> -> memref<1x1x4096xf32, #tpu.memory_space<hbm>>
        %dma_start3A_36 = tpu.memref_squeeze %dma_start3A_35 : memref<1x1x4096xf32, #tpu.memory_space<hbm>> -> memref<4096xf32, #tpu.memory_space<hbm>>
        %dma_start3A_37 = arith.constant 0 : i32
        %dma_start3A_38 = tpu.memref_slice %arg4[%scan3A_20, %add3A, %dma_start3A_37] : memref<20x32x4096xf32, #tpu.memory_space<hbm>> -> memref<1x1x4096xf32, #tpu.memory_space<hbm>>
        %dma_start3A_39 = tpu.memref_squeeze %dma_start3A_38 : memref<1x1x4096xf32, #tpu.memory_space<hbm>> -> memref<4096xf32, #tpu.memory_space<hbm>>
        tpu.enqueue_dma source(%arg7 : memref<4096xf32, #tpu.memory_space<vmem>>) target(%dma_start3A_39 : memref<4096xf32, #tpu.memory_space<hbm>>) target_semaphore(%run_scoped3A : memref<!tpu.dma_semaphore, #tpu.memory_space<semaphore_mem>>)
        %dma_wait3A_40 = arith.constant 0 : i32
        %dma_wait3A_41 = tpu.memref_slice %arg4[%scan3A_20, %add3A, %dma_wait3A_40] : memref<20x32x4096xf32, #tpu.memory_space<hbm>> -> memref<1x1x4096xf32, #tpu.memory_space<hbm>>
        %dma_wait3A_42 = tpu.memref_squeeze %dma_wait3A_41 : memref<1x1x4096xf32, #tpu.memory_space<hbm>> -> memref<4096xf32, #tpu.memory_space<hbm>>
        %dma_wait3A_43 = arith.constant 0 : i32
        %dma_wait3A_44 = tpu.memref_slice %arg4[%scan3A_20, %add3A, %dma_wait3A_43] : memref<20x32x4096xf32, #tpu.memory_space<hbm>> -> memref<1x1x4096xf32, #tpu.memory_space<hbm>>
        %dma_wait3A_45 = tpu.memref_squeeze %dma_wait3A_44 : memref<1x1x4096xf32, #tpu.memory_space<hbm>> -> memref<4096xf32, #tpu.memory_space<hbm>>
        tpu.wait_dma2 semaphore(%run_scoped3A : memref<!tpu.dma_semaphore, #tpu.memory_space<semaphore_mem>>) src(%arg7 : memref<4096xf32, #tpu.memory_space<vmem>>) dst(%dma_wait3A_45 : memref<4096xf32, #tpu.memory_space<hbm>>)
        tpu.yield
      }) : () -> ()
      %lt3A_29 = arith.constant 19 : i32
      %lt3A_30 = arith.cmpi slt, %scan3A_20, %lt3A_29 : i32
      %convert_element_type3A_31 = arith.extui %lt3A_30 : i1 to i32
      %cond3A_32 = arith.constant 0 : i32
      %cond3A_33 = arith.cmpi ne, %convert_element_type3A_31, %cond3A_32 : i32
      scf.if %cond3A_33 {
        %add3A_34 = arith.constant 1 : i32
        %add3A_35 = arith.addi %scan3A_20, %add3A_34 : i32
        %mul3A_36 = arith.constant 32 : i32
        %mul3A_37 = arith.muli %add3A_35, %mul3A_36 : i32
        %add3A_38 = arith.addi %mul3A_37, %add3A : i32
        %dma_wait3A_39 = arith.constant 0 : i32
        %dma_wait3A_40 = tpu.memref_slice %arg2[%add3A_38, %dma_wait3A_39] : memref<640x100000xf32, #tpu.memory_space<hbm>> -> memref<1x100000xf32, #tpu.memory_space<hbm>>
        %dma_wait3A_41 = tpu.memref_squeeze %dma_wait3A_40 : memref<1x100000xf32, #tpu.memory_space<hbm>> -> memref<100000xf32, #tpu.memory_space<hbm>>
        %dma_wait3A_42 = arith.constant 0 : i32
        %dma_wait3A_43 = tpu.memref_slice %arg2[%add3A_38, %dma_wait3A_42] : memref<640x100000xf32, #tpu.memory_space<hbm>> -> memref<1x100000xf32, #tpu.memory_space<hbm>>
        %dma_wait3A_44 = tpu.memref_squeeze %dma_wait3A_43 : memref<1x100000xf32, #tpu.memory_space<hbm>> -> memref<100000xf32, #tpu.memory_space<hbm>>
        tpu.wait_dma2 semaphore(%arg8 : memref<!tpu.dma_semaphore, #tpu.memory_space<semaphore_mem>>) src(%dma_wait3A_44 : memref<100000xf32, #tpu.memory_space<hbm>>) dst(%arg5 : memref<100000xf32, #tpu.memory_space<vmem>>)
      } else {
      }
    }
    %scan3A_19 = arith.constant 20 : i32
    return
  }
}

</mosaic_0001>

<sc_bundles>
// kernel: kernel.3.cloned.1.call-start
scs
__scs_entry_jumppad:
0x0: {  	(pc) =	sbr.rel $0x88, $3  }
0x1: {  	(tag) =	ssettag $0x0;
	lr =	simm.s32 $0x1  }
0x2: {  	[smem:$0x3F9F] =	sst lr;
	_ =	strace $0xD0000000  }
0x3: {  	_ = 	snop  }
0x4: {  	_ = 	snop  }
0x5: {  	_ = 	snop  }
0x6: {  	_ = 	snop  }
0x7: {  	_ = 	snop  }
__scs_overlays_trampoline_lowered:
0x8: {  	[smem:$0x3FAE] =	sst s0  }
0x9: {  	[smem:$0x3FAF] =	sst s1  }
0xa: {  	[smem:$0x3FB0] =	sst s2  }
0xb: {  	[smem:$0x3FB1] =	sst s3  }
0xc: {  	[smem:$0x3FB2] =	sst s4  }
0xd: {  	[smem:$0x3FB3] =	sst s5  }
0xe: {  	[smem:$0x3FB4] =	sst s6  }
0xf: {  	[smem:$0x3FB5] =	sst s7  }
0x10: {  	[smem:$0x3FB6] =	sst s8  }
0x11: {  	[smem:$0x3FB7] =	sst s9;
	s0 =	simm.s32 @!p0 $0x0  }
0x12: {  	s1 =	sld [smem:$0x3F9D];
	s0 =	simm.s32 @p0 $0x1  }
0x13: {  	[smem:$0x3FB8] =	sst s0;
	s0 =	simm.s32 @!p1 $0x0  }
0x14: {  	s2 =	sld [smem:$0x3F9C];
	s0 =	simm.s32 @p1 $0x1  }
0x15: {  	[smem:$0x3FB9] =	sst s0;
	s0 =	simm.s32 @!p2 $0x0  }
0x16: {  	s3 =	sld [smem:$0x3FDB];
	s0 =	simm.s32 @p2 $0x1  }
0x17: {  	s4 =	simm.s32 $0x1BF5;
	[smem:$0x3FBB] =	sst s0  }
0x18: {  	s0 =	sld [smem:$0x3F9E];
	_ =	swait.ge [sflag:s4], $0x0  }
0x19: {  	s7 =	sld [smem:$0x3F9F]  }
0x1a: {  	s8 =	sadd.s32 $0xFFFFE003, lr  }
0x1b: {  	s9 =	sadd.s32 $0xFFFFFEF7, lr;
	s5 =	simm.s32 $0xFFFFFFFF;
	p2 =	slt.u32 s8, $0xFFFFF086  }
0x1c: {  	p1 =	slt.u32 s9, $0xF7A;
	s5 =	simm.s32 @!p2 $0x0  }
0x1d: {  	s5 =	simm.s32 @p1 $0x1;
	p0 =	seq.s32 s7, s2  }
0x1e: {  	s7 =	smul.u32 @!p0 $0xF7A, s2;
	p2 =	seq.s32 @!p0 s5, $0x0  }
0x1f: {  	s9 =	smul.u32 $0xF7A, s1;
	s8 =	simm.s32 @!p0 $0x1BF5;
	p2 =	por !p2, p0  }
0x20: {  	[sflag:s8] =	ssyncset.s32 @!p0 $0xFFFFF086;
	s6 =	sadd.s32 @!p0 s3, s7;
	s7 =	simm.s32 @!p0 $0x108  }
0x21: {  	s3 =	sadd.s32 s3, s9;
	s6 =	sadd.s32 @!p0 $0x88, s6;
	s7 =	simm.s32 @p2 $0x1082  }
0x22: {  	[simem:s7], [sflag:s8] =	dma.local @!p0 [hbm:s6], $0xF7A  }
0x23: {  	s9 =	sor.u32 $0xD0000000, s2;
	s6 =	simm.s32 $0x108;
	_ =	swait.ge @!p0 [sflag:s8], $0x0  }
0x24: {  	s3 =	sadd.s32 $0x88, s3;
	s6 =	simm.s32 @!p1 $0x1082;
	[sflag:s4] =	ssyncset.s32 $0xFFFFF086  }
0x25: {  	[simem:s6], [sflag:s4] =	dma.local [hbm:s3], $0xF7A  }
0x26: {  	[smem:$0x3F9F] =	sst s1;
	(tag) =	ssettag s2;
	_ =	strace s9  }
0x27: {  	s1 =	sld [smem:$0x3FAF]  }
0x28: {  	s2 =	sld [smem:$0x3FB0]  }
0x29: {  	s4 =	sld [smem:$0x3FB2]  }
0x2a: {  	p0 =	seq.s32 s5, $0x0;
	s5 =	sld [smem:$0x3FB3]  }
0x2b: {  	s6 =	sld [smem:$0x3FB4]  }
0x2c: {  	s7 =	sld [smem:$0x3FB5]  }
0x2d: {  	s3 =	simm.s32 $0x108;
	s8 =	sld [smem:$0x3FB6]  }
0x2e: {  	s3 =	simm.s32 @!p0 $0x1082;
	s9 =	sld [smem:$0x3FB7]  }
0x2f: {  	lr =	sadd.s32 s0, s3;
	s0 =	sld [smem:$0x3FAE]  }
0x30: {  	s3 =	sld [smem:$0x3FB1]  }
0x31: {  	[smem:$0x3FBA] =	sst s10  }
0x32: {  	s10 =	sld [smem:$0x3FB8];
	_ =	sdelay $0x3  }
0x33: {  	p0 =	seq.s32 s10, $0x1;
	s10 =	sld [smem:$0x3FBA];
	_ =	sdelay $0x3  }
0x34: {  	[smem:$0x3FBA] =	sst s10  }
0x35: {  	s10 =	sld [smem:$0x3FB9];
	_ =	sdelay $0x3  }
0x36: {  	p1 =	seq.s32 s10, $0x1;
	s10 =	sld [smem:$0x3FBA];
	_ =	sdelay $0x3  }
0x37: {  	[smem:$0x3FBA] =	sst s10  }
0x38: {  	s10 =	sld [smem:$0x3FBB]  }
0x39: {  	_ = 	snop;
	(pc) =	sbr.ind lr, $3  }
0x3a: {  	_ = 	snop  }
0x3b: {  	_ = 	snop  }
0x3c: {  	p2 =	seq.s32 s10, $0x1;
	s10 =	sld [smem:$0x3FBA]  }
0x3d: {  	_ =	shalt  }
0x3e: {  	_ =	shalt  }
0x3f: {  	_ =	shalt  }
0x40: {  	_ =	shalt  }
0x41: {  	_ =	shalt  }
0x42: {  	_ =	shalt  }
0x43: {  	_ =	shalt  }
0x44: {  	_ =	shalt  }
0x45: {  	_ =	shalt  }
0x46: {  	_ =	shalt  }
0x47: {  	_ =	shalt  }
0x48: {  	_ =	shalt  }
0x49: {  	_ =	shalt  }
0x4a: {  	_ =	shalt  }
0x4b: {  	_ =	shalt  }
0x4c: {  	_ =	shalt  }
0x4d: {  	_ =	shalt  }
0x4e: {  	_ =	shalt  }
0x4f: {  	_ =	shalt  }
0x50: {  	_ =	shalt  }
0x51: {  	_ =	shalt  }
0x52: {  	_ =	shalt  }
0x53: {  	_ =	shalt  }
0x54: {  	_ =	shalt  }
0x55: {  	_ =	shalt  }
0x56: {  	_ =	shalt  }
0x57: {  	_ =	shalt  }
0x58: {  	_ =	shalt  }
0x59: {  	_ =	shalt  }
0x5a: {  	_ =	shalt  }
0x5b: {  	_ =	shalt  }
0x5c: {  	_ =	shalt  }
0x5d: {  	_ =	shalt  }
0x5e: {  	_ =	shalt  }
0x5f: {  	_ =	shalt  }
0x60: {  	_ =	shalt  }
0x61: {  	_ =	shalt  }
0x62: {  	_ =	shalt  }
0x63: {  	_ =	shalt  }
0x64: {  	_ =	shalt  }
0x65: {  	_ =	shalt  }
0x66: {  	_ =	shalt  }
0x67: {  	_ =	shalt  }
0x68: {  	_ =	shalt  }
0x69: {  	_ =	shalt  }
0x6a: {  	_ =	shalt  }
0x6b: {  	_ =	shalt  }
0x6c: {  	_ =	shalt  }
0x6d: {  	_ =	shalt  }
0x6e: {  	_ =	shalt  }
0x6f: {  	_ =	shalt  }
0x70: {  	_ =	shalt  }
0x71: {  	_ =	shalt  }
0x72: {  	_ =	shalt  }
0x73: {  	_ =	shalt  }
0x74: {  	_ =	shalt  }
0x75: {  	_ =	shalt  }
0x76: {  	_ =	shalt  }
0x77: {  	_ =	shalt  }
0x78: {  	_ =	shalt  }
0x79: {  	_ =	shalt  }
0x7a: {  	_ =	shalt  }
0x7b: {  	_ =	shalt  }
0x7c: {  	_ =	shalt  }
0x7d: {  	_ =	shalt  }
0x7e: {  	_ =	shalt  }
0x7f: {  	_ =	shalt  }
0x80: {  	_ =	shalt  }
0x81: {  	_ =	shalt  }
0x82: {  	_ =	shalt  }
0x83: {  	_ =	shalt  }
0x84: {  	_ =	shalt  }
0x85: {  	_ =	shalt  }
0x86: {  	_ =	shalt  }
0x87: {  	_ =	shalt  }
.Lfunc_end0:
.L_simem_size_0:
called_computation_lowered:
.L_overlay_start_0:
0x88: {  	s2 =	sld [smem:$0x3FD9]  }
0x89: {  	s3 =	sld [smem:$0x3FFE];
	_ =	sdelay $0x1  }
0x8a: {  	s1 =	srdreg.scid  }
0x8b: {  	s0 =	sand.u32 $0x1, s1  }
0x8c: {  	s18 =	sshll.u32 s0, $0xA;
	s2 =	sadd.s32 s3, s2  }
0x8d: {  	s2 =	sadd.s32 s2, s18  }
0x8e: {  	[smem:$0x3FC6] =	sst s2  }
0x8f: {  	_ = 	snop  }
0x90: {  	s2 =	sld [smem:$0x3FC9]  }
0x91: {  	s19 =	sld [smem:$0x3FC8]  }
0x92: {  	s4 =	sld [smem:$0x3FD0];
	(tm) =	ssettm $0x1  }
0x93: {  	s5 =	sld [smem:$0x3FFB];
	_ =	sdelay $0x3  }
0x94: {  	_ =	strace s5  }
0x95: {  	s5 =	sld [smem:$0x3FFC];
	_ =	sdelay $0x3  }
0x96: {  	_ =	strace s5  }
0x97: {  	s5 =	sld [smem:$0x3FFD];
	_ =	sdelay $0x3  }
0x98: {  	_ =	strace s5  }
0x99: {  	_ =	strace $0x8FFFFFFF  }
0x9a: {  	s20 =	sld [smem:$0x3FDB];
	_ =	sdelay $0x1  }
0x9b: {  	s6 =	simm.s32 $_scs_section_size  }
0x9c: {  	s7 =	simm.s32 $_size__tile_overlayer_lowered;
	s8 =	simm.s32 $_tile_overlayer_lowered  }
0x9d: {  	s23 =	simm.s32 $0x1BFF;
	s22 =	sshll.u32 s8, $0x1;
	s5 =	sadd.s32 s6, s20  }
0x9e: {  	s9 =	simm.s32 $0x0;
	s21 =	sshll.u32 s7, $0x1;
	s7 =	sadd.s32 s22, s5  }
0x9f: {  	[timem:s9], [sflag:s23] =	dma.local [hbm:s7], s21  }
0xa0: {  	_ =	swait.ge [sflag:s23], s21  }
0xa1: {  	s6 =	ssub.s32 $0x0, s21;
	[sflag:s23] =	ssyncset.done $0x0  }
0xa2: {  	[sflag:s23] =	ssyncadd.s32 s6;
	_ =	sdelay $0x1  }
0xa3: {  	s24 =	simm.s32 $0x1B8B  }
0xa4: {  	_ =	swait.ge [sflag:s24], $0x1  }
0xa5: {  	[sflag:s24] =	ssyncset.done $0x0  }
0xa6: {  	s25 =	simm.s32 $0x1B8E;
	[sflag:s24] =	ssyncadd.s32 $0xFFFFFFFF  }
0xa7: {  	s26 =	simm.s32 $execute0_lowered;
	[smem:$0x3FD2] =	sst s25  }
0xa8: {  	s6 =	sshll.u32 s26, $0x1;
	_ =	strace $0x80000046;
	[dreg:$0x1] =	wrdreg $0xFFFFFFFF  }
0xa9: {  	s28 =	simm.s32 $_size_execute0_lowered;
	s5 =	sadd.s32 s5, s6;
	[dreg:$0x0] =	wrdreg $0x0  }
0xaa: {  	s6 =	sshll.u32 s28, $0x1;
	[dreg:$0x2] =	wrdreg s5  }
0xab: {  	[dreg:$0x3] =	wrdreg s6  }
0xac: {  	[dreg:$0x4] =	wrdreg $0xC0  }
0xad: {  	_ =	task [dreg:s9], $0x5FFFF  }
0xae: {  	[dreg:$0x1] =	wrdreg $0xFFFFFFFF  }
0xaf: {  	[dreg:$0x0] =	wrdreg $0x60  }
0xb0: {  	[dreg:$0x2] =	wrdreg s19  }
0xb1: {  	[dreg:$0x3] =	wrdreg s2  }
0xb2: {  	[dreg:$0x4] =	wrdreg s4  }
0xb3: {  	[dreg:$0x5] =	wrdreg $0x9  }
0xb4: {  	_ =	task.clear_ibuf [dreg:s9], $0x6FFFF;
	_ =	strace $0x90000046  }
0xb5: {  	s29 =	simm.s32 $0x9;
	_ =	strace $0x80000048  }
0xb6: {  	_ =	swait.ge [sflag:s29], $0x1  }
0xb7: {  	[sflag:s29] =	ssyncadd.s32 $0xFFFFFFFF  }
0xb8: {  	_ =	strace $0x90000048  }
0xb9: {  	_ =	sfence  }
0xba: {  	s30 =	sld [smem:$0x0];
	_ =	sdelay $0x2  }
0xbb: {  	s31 =	sshll.u32 s1, $0xD;
	s1 =	sshrl.u32 s1, $0x2  }
0xbc: {  	s3 =	sand.u32 $0x4000, s31;
	s1 =	sadd.s32 s1, s30  }
0xbd: {  	s0 =	sor.u32 s3, s0;
	s1 =	sshll.u32 s1, $0x11  }
0xbe: {  	s0 =	sor.u32 s1, s0  }
0xbf: {  	s0 =	sadd.s32 $0x8F2B, s0  }
0xc0: {  	[sflag:s0] =	ssyncadd.remote.s32 $0x1  }
0xc1: {  	_ =	sfence.sel $0xFFFF  }
0xc2: {  	[dreg:$0x0] =	wrdreg $0xFFFFFFFF;
	(pc) =	sbr.abs _section_cstart, $3  }
0xc3: {  	[dreg:$0x1] =	wrdreg $0xFFFFFFFF  }
0xc4: {  	_ =	task.clear_ibuf [dreg:s9], $0x2FFFF;
	_ =	strace $0x9FFFFFFF  }
0xc5: {  	(tm) =	ssettm $0x7FFFFFFF  }
tec
execute0_lowered:
.L_overlay_start_1:
0x0: {  	(tag) =	ssettag $0x1  }
0x1: {  	s1 =	rddreg [dreg:$0x0]  }
0x2: {  	s0 =	srdreg.scid;
	s3 =	rddreg [dreg:$0x1]  }
0x3: {  	s4 =	rddreg [dreg:$0x2];
	s5 =	simm.s32 $0x0;
	s7 =	sand.u32 $0x1, s0  }
0x4: {  	s12 =	simm.s32 $0x400;
	s0 =	stileid.u32;
	s2 =	sshll.u32 s7, $0x4  }
0x5: {  	s13 =	simm.s32 $0x1;
	s14 =	simm.s32 $0x18700;
	s8 =	sor.u32 s0, s2  }
0x6: {  	s15 =	simm.s32 $0x2;
	s16 =	simm.s32 $0x19700;
	s9 =	sshrl.u32 s8, $0x3  }
0x7: {  	s17 =	simm.s32 $0x0;
	[smem:$0x7FF] =	sst s5;
	s10 =	smul.u32 $0xC3800, s9  }
.Ltmp0:
0x8: {  	s6 =	sshll.u32 s0, $0x7;
	s7 =	ssub.s32 $0x2, s7;
	(pc) =	sbr.rel .LBB2_1-.Ltmp0, $4  }
0x9: {  	s2 =	rddreg [dreg:$0x3];
	s6 =	sand.u32 $0x380, s6;
	s11 =	sshrl.u32 s7, $0x1  }
0xa: {  	_ =	strace $0x80000047;
	s11 =	ssub.s32 s7, s11;
	s10 =	sor.u32 s6, s10  }
0xb: {  	s8 =	sor.u32 $0x20, s8;
	s9 =	sshll.u32 s9, $0xF;
	s10 =	sshrl.u32 s10, $0x3  }
0xc: {  	s7 =	sadd.s32 s1, s10;
	s10 =	smax.u32 s11, $0x1;
	s11 =	simm.s32 $0x80  }
.LBB2_6:
0xd: {  	s17 =	sadd.s32 $0x1, s17  }
0xe: {  	p0 =	sne.s32 s17, s10  }
.Ltmp1:
0xf: {  	_ = 	snop;
	(pc) =	sbr.rel @!p0 .LBB2_7-.Ltmp1, $1  }
0x10: {  	_ =	sdelay $0x3  }
.LBB2_1:
0x11: {  	[tilespmem:s5], [sflag:$0x1] =	stream.strided.gather [hbm4b:s7+s11], $0x18700, s12, s11, $0x38;
	[tilespmem:$0x1A700] =	vst v63  }
0x12: {  	_ =	swait.ge [sflag:s13], $0x18700  }
0x13: {  	[sflag:s13] =	ssyncset.done $0x0  }
0x14: {  	s18 =	simm.s32 $0x0;
	[sflag:s13] =	ssyncadd.s32 $0xFFFE7900  }
.LBB2_2:
0x15: {  	s19 =	sshll.u32 s18, $0x4  }
0x16: {  	s20 =	sshll.u32 s18, $0x9;
	s19 =	sand.u32 $0x70, s19  }
0x17: {  	s20 =	sand.u32 $0x3000, s20;
	s19 =	sadd.s32 s3, s19  }
0x18: {  	s19 =	sadd.s32 s20, s19  }
0x19: {  	[tilespmem:s14], [sflag:$0x2] =	stream.strided.gather [hbm4b:s19+s11], $0x1000, s12, s11, $0x38;
	[tilespmem:$0x1A700] =	vst v63  }
0x1a: {  	_ =	swait.ge [sflag:s15], $0x1000  }
0x1b: {  	[sflag:s15] =	ssyncset.done $0x0  }
0x1c: {  	s20 =	simm.s32 $0x0;
	[sflag:s15] =	ssyncadd.s32 $0xFFFFF000  }
0x1d: {  	v0 =	vld [tilespmem:s20+$0x18700];
	_ =	sdelay $0x7  }
0x1e: {  	s21 =	simm.s32 $0x80;
	s19 =	simm.s32 $0x10;
	v0 =	vld.idx.msk [tilespmem:v0+s5+$0x0], $0xffff  }
.LBB2_3:
0x1f: {  	p0 =	sne.s32 s21, $0x3FC0;
	v1 =	vld [tilespmem:s19+$0x18700];
	_ =	sdelay $0x3  }
.Ltmp2:
0x20: {  	(pc) =	sbr.rel @p0 .LBB2_3-.Ltmp2, $2  }
0x21: {  	[tilespmem:s20+$0x19700] =	vst v0;
	s20 =	smov.u32 s19;
	_ =	sdelay $0x2  }
0x22: {  	s19 =	sshra.s32 s21, $0x2;
	s21 =	sadd.s32 $0x40, s21;
	v0 =	vld.idx.msk [tilespmem:v1+s5+$0x0], $0xffff  }
0x23: {  	v1 =	vld [tilespmem:s19+$0x18700];
	_ =	sdelay $0x4  }
0x24: {  	p0 =	seq.s32 s18, $0x13  }
0x25: {  	s21 =	sshll.u32 @!p0 s18, $0x5  }
0x26: {  	s21 =	sadd.s32 @!p0 s8, s21;
	[tilespmem:s20+$0x19700] =	vst v0  }
0x27: {  	s20 =	sshrl.u32 @!p0 s21, $0x3;
	v0 =	vld.idx.msk [tilespmem:v1+s5+$0x0], $0xffff  }
0x28: {  	s20 =	smul.u32 @!p0 $0xC3800, s20;
	_ =	sdelay $0x1  }
0x29: {  	s20 =	sor.u32 @!p0 s6, s20  }
0x2a: {  	s31 =	sshll.u32 s18, $0x11;
	s22 =	simm.s32 @!p0 $0x0;
	s20 =	sshrl.u32 @!p0 s20, $0x3  }
0x2b: {  	s21 =	simm.s32 @!p0 $0x400;
	s20 =	sadd.s32 @!p0 s1, s20;
	[tilespmem:s19+$0x19700] =	vst v0;
	s19 =	simm.s32 @!p0 $0x80  }
0x2c: {  	[tilespmem:s22], [sflag:$0x1] =	stream.strided.gather @!p0 [hbm4b:s20+s19], $0x18700, s21, s19, $0x38;
	[tilespmem:$0x1A700] =	vst v63  }
0x2d: {  	s19 =	sor.u32 s31, s9  }
0x2e: {  	s19 =	sor.u32 s6, s19  }
0x2f: {  	s19 =	sshrl.u32 s19, $0x3  }
.Ltmp3:
0x30: {  	s19 =	sadd.s32 s4, s19;
	(pc) =	sbr.rel @p0 .LBB2_6-.Ltmp3, $4  }
0x31: {  	[hbm4b:s19+s11] =	stream.strided.scatter [tilespmem:s16], [sflag:$0x2], $0x1000, s12, s11, $0x38;
	[tilespmem:$0x1A700] =	vst v63  }
0x32: {  	_ =	swait.ge [sflag:s15], $0x1000  }
0x33: {  	[sflag:s15] =	ssyncset.done $0x0  }
0x34: {  	[sflag:s15] =	ssyncadd.s32 $0xFFFFF000  }
.Ltmp4:
0x35: {  	(pc) =	sbr.rel .LBB2_2-.Ltmp4, $4  }
0x36: {  	_ = 	snop  }
0x37: {  	_ =	swait.ge [sflag:s13], $0x18700  }
0x38: {  	[sflag:s13] =	ssyncset.done $0x0  }
0x39: {  	s18 =	sadd.s32 $0x1, s18;
	[sflag:s13] =	ssyncadd.s32 $0xFFFE7900  }
.LBB2_7:
0x3a: {  	_ =	sfence.sel $0x180000  }
0x3b: {  	[bflag:$0x0] =	sbarrier.arrive $0xFFFF  }
0x3c: {  	p0 =	sne.s32 s0, $0x0;
	_ =	strace $0x90000047  }
0x3d: {  	s0 =	sadd.s32 @!p0 $0x100000, s2;
	[bflag:$0x2] =	sbarrier.arrive $0xFFFF  }
0x3e: {  	[sflag:s0] =	ssyncadd.tile.s32 @!p0 $0x1;
	_ =	shalt  }
.Lfunc_end2:
_tile_overlayer_lowered:
.L_overlay_start_2:
0x3f: {  	(tag) =	ssettag $0x2  }
0x40: {  	s0 =	rddreg [dreg:$0x0];
	s2 =	stileid.u32  }
0x41: {  	s1 =	rddreg [dreg:$0x1];
	p0 =	sne.s32 s2, $0x0  }
0x42: {  	s3 =	rddreg [dreg:$0x2];
	[bflag:$0x3] =	sbarrier.arrive $0xFFFF;
	s2 =	simm.s32 @!p0 $0x1C02  }
0x43: {  	[timem:s3], [sflag:s2] =	dma.local @!p0 [hbm:s0], s1  }
0x44: {  	s0 =	simm.s32 @!p0 $0x2  }
0x45: {  	_ =	swait.ge @!p0 [sflag:s0], s1  }
0x46: {  	s1 =	ssub.s32 @!p0 $0x0, s1;
	[sflag:s0] =	ssyncset.done @!p0 $0x0  }
0x47: {  	[sflag:s0] =	ssyncadd.s32 @!p0 s1  }
0x48: {  	[bflag:$0x3] =	sbarrier.arrive $0xFFFF  }
0x49: {  	_ =	shalt  }

</sc_bundles>
